<compile_context>
chip_gen: v7x
topology: tpu7x:2x2x1
jax: 0.10.2.dev20260603
libtpu: 0.0.44.dev20260713+nightly
codegen_flags: <defaults>
</compile_context>

<pallas_src>
import functools

import jax
import jax.numpy as jnp
from jax import lax
from jax.experimental import pallas as pl
from jax.experimental.pallas import tpu as pltpu
from jax.experimental.pallas import tpu_sc as plsc

N_NODES = 10000
N_EDGES = 320000
IN_DIM = 128
HID_DIM = 64
OUT_DIM = 32

NC = 2
NS = 16
CHUNK = 100
CHUNKS_PER_TILE = 100
EDGES_PER_TILE = CHUNKS_PER_TILE * CHUNK
ROWS_PER_TILE = N_NODES // NS

_MESH = dict(core_axis_name="c", subcore_axis_name="s", num_cores=NC,
             num_subcores=NS)
_SC_PARAMS = pltpu.CompilerParams(needs_layout_passes=False,
                                  use_tc_tiling_on_sc=False)




def _deg_body(dst_hbm, ew_hbm, degp_hbm, dst_v, ew_v, degp_v):
    c = lax.axis_index("c")
    s = lax.axis_index("s")
    wid = c * NS + s
    pltpu.sync_copy(dst_hbm.at[wid], dst_v)
    pltpu.sync_copy(ew_hbm.at[wid], ew_v)

    def zero(i, _):
        degp_v[pl.ds(i * 16, 16)] = jnp.zeros((16,), jnp.float32)
        return 0

    lax.fori_loop(0, N_NODES // 16, zero, 0)

    def chunk(j, _):
        idx = dst_v[pl.ds(j * 16, 16)]
        val = ew_v[pl.ds(j * 16, 16)]
        plsc.addupdate_scatter(degp_v, [idx], val)
        return 0

    lax.fori_loop(0, EDGES_PER_TILE // 16, chunk, 0)
    pltpu.sync_copy(degp_v, degp_hbm.at[wid])


@jax.jit
def _deg_call(dst_p, ew_p):
    return pl.kernel(
        _deg_body,
        out_type=jax.ShapeDtypeStruct((NC * NS, N_NODES), jnp.float32),
        mesh=plsc.VectorSubcoreMesh(**_MESH),
        scratch_types=[
            pltpu.VMEM((EDGES_PER_TILE,), jnp.int32),
            pltpu.VMEM((EDGES_PER_TILE,), jnp.float32),
            pltpu.VMEM((N_NODES,), jnp.float32),
        ],
        compiler_params=_SC_PARAMS,
    )(dst_p, ew_p)




def _agg_body(d, stage_g, g_hbm, src_hbm, dst_hbm, ew_hbm, aggp_hbm,
              src_v, dst_v, ew_v, rows_a, rows_b, rows_c, rows_d, acc_sh,
              gs_a, gs_b, gs_c, gs_d, ss_a, ss_b, ss_c, ss_d, *maybe_g_sh):
    nd = d // 16
    c = lax.axis_index("c")
    s = lax.axis_index("s")
    wid = c * NS + s
    pltpu.sync_copy(src_hbm.at[wid], src_v)
    pltpu.sync_copy(dst_hbm.at[wid], dst_v)
    pltpu.sync_copy(ew_hbm.at[wid], ew_v)
    if stage_g:
        g_src = maybe_g_sh[0]
        row0 = s * ROWS_PER_TILE
        pltpu.sync_copy(g_hbm.at[pl.ds(row0, ROWS_PER_TILE)],
                        g_src.at[pl.ds(row0, ROWS_PER_TILE)])
    else:
        g_src = g_hbm

    def zero(i, _):
        for k in range(nd):
            rows_a[i, pl.ds(k * 16, 16)] = jnp.zeros((16,), jnp.float32)
        return 0

    lax.fori_loop(0, CHUNK, zero, 0)
    row0 = s * ROWS_PER_TILE
    for q in range(ROWS_PER_TILE // CHUNK):
        pltpu.sync_copy(rows_a, acc_sh.at[pl.ds(row0 + q * CHUNK, CHUNK)])
    rem = ROWS_PER_TILE % CHUNK
    if rem:
        pltpu.sync_copy(rows_a.at[pl.ds(0, rem)],
                        acc_sh.at[pl.ds(row0 + ROWS_PER_TILE - rem, rem)])
    plsc.subcore_barrier()

    def scale(j, buf):
        def body(i, _):
            sc = plsc.load_gather(
                ew_v, [jnp.full((16,), j, jnp.int32), jnp.full((16,), i, jnp.int32)])
            for k in range(nd):
                buf[i, pl.ds(k * 16, 16)] = buf[i, pl.ds(k * 16, 16)] * sc
            return 0

        lax.fori_loop(0, CHUNK, body, 0)

    def issue_gather(j, buf, sem):
        pltpu.async_copy(g_src.at[src_v.at[j]], buf, sem)

    def wait_gather(buf, sem):
        pltpu.make_async_copy(g_src.at[src_v.at[0]], buf, sem).wait()

    def issue_scatter(j, buf, sem):
        pltpu.async_copy(buf, acc_sh.at[dst_v.at[j]], sem, add=True)

    def wait_scatter(buf, sem):
        pltpu.make_async_copy(buf, acc_sh.at[dst_v.at[0]], sem).wait()

    bufs = (rows_a, rows_b, rows_c, rows_d)
    gss = (gs_a, gs_b, gs_c, gs_d)
    sss = (ss_a, ss_b, ss_c, ss_d)
    last_j = CHUNKS_PER_TILE - 1

    def step(j, i, do_wait_s, do_issue_g):
        wait_gather(bufs[i], gss[i])
        scale(j, bufs[i])
        issue_scatter(j, bufs[i], sss[i])
        if do_wait_s:
            wait_scatter(bufs[(i + 2) % 4], sss[(i + 2) % 4])
        if do_issue_g:
            issue_gather(j + 2, bufs[(i + 2) % 4], gss[(i + 2) % 4])

    issue_gather(0, rows_a, gs_a)
    issue_gather(1, rows_b, gs_b)
    step(0, 0, False, True)
    step(1, 1, False, True)
    step(2, 2, True, True)
    step(3, 3, True, True)

    def quad(m, _):
        j = 4 * m
        for i in range(4):
            step(j + i, i, True, True)
        return 0

    lax.fori_loop(1, CHUNKS_PER_TILE // 4 - 1, quad, 0)
    base = CHUNKS_PER_TILE - 4
    for i in range(4):
        step(base + i, i, True, base + i + 2 <= last_j)
    wait_scatter(bufs[2], sss[2])
    wait_scatter(bufs[3], sss[3])
    plsc.subcore_barrier()
    pltpu.sync_copy(
        acc_sh.at[pl.ds(s * ROWS_PER_TILE, ROWS_PER_TILE)],
        aggp_hbm.at[c, pl.ds(s * ROWS_PER_TILE, ROWS_PER_TILE)])


@functools.partial(jax.jit, static_argnums=(0, 1))
def _agg_call(d, stage_g, g, src_p, dst_p, ew_p):
    scratch = [
        pltpu.VMEM((CHUNKS_PER_TILE, CHUNK), jnp.int32),
        pltpu.VMEM((CHUNKS_PER_TILE, CHUNK), jnp.int32),
        pltpu.VMEM((CHUNKS_PER_TILE, CHUNK), jnp.float32),
        pltpu.VMEM((CHUNK, d), jnp.float32),
        pltpu.VMEM((CHUNK, d), jnp.float32),
        pltpu.VMEM((CHUNK, d), jnp.float32),
        pltpu.VMEM((CHUNK, d), jnp.float32),
        pltpu.VMEM_SHARED((N_NODES, d), jnp.float32),
        pltpu.SemaphoreType.DMA,
        pltpu.SemaphoreType.DMA,
        pltpu.SemaphoreType.DMA,
        pltpu.SemaphoreType.DMA,
        pltpu.SemaphoreType.DMA,
        pltpu.SemaphoreType.DMA,
        pltpu.SemaphoreType.DMA,
        pltpu.SemaphoreType.DMA,
    ]
    if stage_g:
        scratch.append(pltpu.VMEM_SHARED((N_NODES, d), jnp.float32))
    return pl.kernel(
        functools.partial(_agg_body, d, stage_g),
        out_type=jax.ShapeDtypeStruct((NC, N_NODES, d), jnp.float32),
        mesh=plsc.VectorSubcoreMesh(**_MESH),
        scratch_types=scratch,
        compiler_params=_SC_PARAMS,
    )(g, src_p, dst_p, ew_p)



_TCR = 1000


def _tc1_body(degp_ref, x_ref, w1t_ref, dis_ref, g_ref):
    degp_t = jnp.transpose(degp_ref[...])
    deg = 1.0 + jnp.sum(degp_t, axis=1, keepdims=True)
    pos = deg > 0
    dis = jnp.where(pos, lax.rsqrt(jnp.where(pos, deg, 1.0)), 0.0)
    h = jnp.dot(x_ref[...], w1t_ref[...], preferred_element_type=jnp.float32)
    dis_ref[...] = dis
    g_ref[...] = dis * h


def _tc2_body(aggp_ref, g1_ref, dis_ref, b1_ref, w2t_ref, g2_ref):
    agg = aggp_ref[0] + aggp_ref[1] + g1_ref[...]
    out1 = jnp.maximum(dis_ref[...] * agg + b1_ref[...], 0.0)
    g2_ref[...] = dis_ref[...] * jnp.dot(
        out1, w2t_ref[...], preferred_element_type=jnp.float32)


def _tc3_body(aggp_ref, g2_ref, dis_ref, b2_ref, out_ref):
    agg = aggp_ref[0] + aggp_ref[1] + g2_ref[...]
    out_ref[...] = dis_ref[...] * agg + b2_ref[...]


@jax.jit
def _tc1_call(degp, x, w1t):
    return pl.pallas_call(
        _tc1_body,
        out_shape=[
            jax.ShapeDtypeStruct((N_NODES, 1), jnp.float32),
            jax.ShapeDtypeStruct((N_NODES, HID_DIM), jnp.float32),
        ],
    )(degp, x, w1t)


@jax.jit
def _tc2_call(aggp1, g1, dis, b1r, w2t):
    return pl.pallas_call(
        _tc2_body,
        out_shape=jax.ShapeDtypeStruct((N_NODES, OUT_DIM), jnp.float32),
    )(aggp1, g1, dis, b1r, w2t)


@jax.jit
def _tc3_call(aggp2, g2, dis, b2r):
    return pl.pallas_call(
        _tc3_body,
        out_shape=jax.ShapeDtypeStruct((N_NODES, OUT_DIM), jnp.float32),
    )(aggp2, g2, dis, b2r)




def kernel(x, edge_index, edge_weight, W1, b1, W2, b2):
    src = edge_index[0]
    dst = edge_index[1]
    shard = (NC * NS, CHUNKS_PER_TILE, CHUNK)
    flat = (NC * NS, EDGES_PER_TILE)
    src_p = src.reshape(shard)
    dst_p = dst.reshape(shard)
    ew_p = edge_weight.reshape(shard)

    degp = _deg_call(dst.reshape(flat), edge_weight.reshape(flat))
    dis, g1 = _tc1_call(degp, x, W1.T)
    aggp1 = _agg_call(HID_DIM, False, g1, src_p, dst_p, ew_p)
    g2 = _tc2_call(aggp1, g1, dis, b1.reshape(1, -1), W2.T)
    aggp2 = _agg_call(OUT_DIM, True, g2, src_p, dst_p, ew_p)
    return _tc3_call(aggp2, g2, dis, b2.reshape(1, -1))

# --- scband reference (transcript-rebuilt; emitter-appended) ---
"""Pipeline reference for scband-graph-conv-module-80487687127270 (READ-ONLY COPY).

The authoritative reference and input builder live on the scoring server;
editing this copy changes nothing except your own understanding.
"""

import jax, jax.numpy as jnp
import numpy as np

N_NODES = 10000
N_EDGES = 320000
IN_DIM = 128
HID_DIM = 64
OUT_DIM = 32


def setup_inputs(seed: int = 0) -> dict:
    key = jax.random.key(seed)
    ks = jax.random.split(key, 8)
    x = jax.random.normal(ks[0], (N_NODES, IN_DIM), dtype=jnp.float32)
    edge_index = jax.random.randint(ks[1], (2, N_EDGES), 0, N_NODES, dtype=jnp.int32)
    edge_weight = jax.random.uniform(ks[2], (N_EDGES,), dtype=jnp.float32)
    W1 = jax.random.normal(ks[3], (HID_DIM, IN_DIM), dtype=jnp.float32) * (1.0 / np.sqrt(IN_DIM))
    b1 = jnp.zeros((HID_DIM,), dtype=jnp.float32)
    W2 = jax.random.normal(ks[4], (OUT_DIM, HID_DIM), dtype=jnp.float32) * (1.0 / np.sqrt(HID_DIM))
    b2 = jnp.zeros((OUT_DIM,), dtype=jnp.float32)
    return {"x": x, "edge_index": edge_index, "edge_weight": edge_weight,
            "W1": W1, "b1": b1, "W2": W2, "b2": b2}


def _gcn_conv(x, edge_index, edge_weight, W, b):
    # Faithful GCNConv: add self-loops (weight 1.0), symmetric normalization,
    # linear transform, weighted scatter-add aggregation at target nodes, bias.
    n = x.shape[0]
    src = edge_index[0]
    dst = edge_index[1]
    loop = jnp.arange(n, dtype=edge_index.dtype)
    src2 = jnp.concatenate([src, loop])
    dst2 = jnp.concatenate([dst, loop])
    ew2 = jnp.concatenate([edge_weight, jnp.ones((n,), dtype=x.dtype)])
    deg = jnp.zeros((n,), dtype=x.dtype).at[dst2].add(ew2)
    deg_safe = jnp.where(deg > 0, deg, 1.0)
    dis = jnp.where(deg > 0, jax.lax.rsqrt(deg_safe), 0.0)
    norm = dis[src2] * ew2 * dis[dst2]
    h = x @ W.T
    msg = h[src2] * norm[:, None]
    out = jnp.zeros((n, W.shape[0]), dtype=x.dtype).at[dst2].add(msg)
    return out + b


def reference(x, edge_index, edge_weight, W1, b1, W2, b2):
    h = jax.nn.relu(_gcn_conv(x, edge_index, edge_weight, W1, b1))
    out = _gcn_conv(h, edge_index, edge_weight, W2, b2)
    return out

if __name__ == "__main__":
    import jax
    _d = setup_inputs()
    print(jax.jit(kernel)(*tuple(_d.values())))

</pallas_src>

<mosaic_0001>
#map = affine_map<(d0, d1) -> (0, 0)>
module attributes {stable_mosaic.version = 14 : i64} {
  func.func @_deg_body(%arg0: i32, %arg1: i32, %arg2: memref<32x10000xi32, #tpu.memory_space<hbm>>, %arg3: memref<32x10000xf32, #tpu.memory_space<hbm>>, %arg4: memref<32x10000xf32, #tpu.memory_space<hbm>>, %arg5: memref<10000xi32, #tpu.memory_space<vmem>>, %arg6: memref<10000xf32, #tpu.memory_space<vmem>>, %arg7: memref<10000xf32, #tpu.memory_space<vmem>>) attributes {dimension_semantics = [#tpu.dimension_semantics<core_parallel>, #tpu.dimension_semantics<subcore_parallel>], iteration_bounds = array<i64: 2, 16>, scalar_prefetch = 0 : i64, scratch_operands = 3 : i64, tpu.core_type = #tpu.core_type<sc_vector_subcore>, window_params = [{transform_indices = #map}, {transform_indices = #map}, {transform_indices = #map}]} {
    %mul3A = arith.constant 16 : i32
    %mul3A_0 = arith.muli %arg0, %mul3A : i32
    %add3A = arith.addi %mul3A_0, %arg1 : i32
    "tpu.region"() ({
      %run_scoped3A = tpu.sem_alloc : memref<!tpu.dma_semaphore, #tpu.memory_space<semaphore_mem>>
      %dma_start3A = arith.constant 0 : i32
      %dma_start3A_14 = tpu.memref_slice %arg2[%add3A, %dma_start3A] : memref<32x10000xi32, #tpu.memory_space<hbm>> -> memref<1x10000xi32, #tpu.memory_space<hbm>>
      %dma_start3A_15 = tpu.memref_squeeze %dma_start3A_14 : memref<1x10000xi32, #tpu.memory_space<hbm>> -> memref<10000xi32, #tpu.memory_space<hbm>>
      %dma_start3A_16 = arith.constant 0 : i32
      %dma_start3A_17 = tpu.memref_slice %arg2[%add3A, %dma_start3A_16] : memref<32x10000xi32, #tpu.memory_space<hbm>> -> memref<1x10000xi32, #tpu.memory_space<hbm>>
      %dma_start3A_18 = tpu.memref_squeeze %dma_start3A_17 : memref<1x10000xi32, #tpu.memory_space<hbm>> -> memref<10000xi32, #tpu.memory_space<hbm>>
      tpu.enqueue_dma source(%dma_start3A_18 : memref<10000xi32, #tpu.memory_space<hbm>>) target(%arg5 : memref<10000xi32, #tpu.memory_space<vmem>>) target_semaphore(%run_scoped3A : memref<!tpu.dma_semaphore, #tpu.memory_space<semaphore_mem>>)
      %dma_wait3A = arith.constant 0 : i32
      %dma_wait3A_19 = tpu.memref_slice %arg2[%add3A, %dma_wait3A] : memref<32x10000xi32, #tpu.memory_space<hbm>> -> memref<1x10000xi32, #tpu.memory_space<hbm>>
      %dma_wait3A_20 = tpu.memref_squeeze %dma_wait3A_19 : memref<1x10000xi32, #tpu.memory_space<hbm>> -> memref<10000xi32, #tpu.memory_space<hbm>>
      %dma_wait3A_21 = arith.constant 0 : i32
      %dma_wait3A_22 = tpu.memref_slice %arg2[%add3A, %dma_wait3A_21] : memref<32x10000xi32, #tpu.memory_space<hbm>> -> memref<1x10000xi32, #tpu.memory_space<hbm>>
      %dma_wait3A_23 = tpu.memref_squeeze %dma_wait3A_22 : memref<1x10000xi32, #tpu.memory_space<hbm>> -> memref<10000xi32, #tpu.memory_space<hbm>>
      tpu.wait_dma2 semaphore(%run_scoped3A : memref<!tpu.dma_semaphore, #tpu.memory_space<semaphore_mem>>) src(%dma_wait3A_23 : memref<10000xi32, #tpu.memory_space<hbm>>) dst(%arg5 : memref<10000xi32, #tpu.memory_space<vmem>>)
      tpu.yield
    }) : () -> ()
    "tpu.region"() ({
      %run_scoped3A = tpu.sem_alloc : memref<!tpu.dma_semaphore, #tpu.memory_space<semaphore_mem>>
      %dma_start3A = arith.constant 0 : i32
      %dma_start3A_14 = tpu.memref_slice %arg3[%add3A, %dma_start3A] : memref<32x10000xf32, #tpu.memory_space<hbm>> -> memref<1x10000xf32, #tpu.memory_space<hbm>>
      %dma_start3A_15 = tpu.memref_squeeze %dma_start3A_14 : memref<1x10000xf32, #tpu.memory_space<hbm>> -> memref<10000xf32, #tpu.memory_space<hbm>>
      %dma_start3A_16 = arith.constant 0 : i32
      %dma_start3A_17 = tpu.memref_slice %arg3[%add3A, %dma_start3A_16] : memref<32x10000xf32, #tpu.memory_space<hbm>> -> memref<1x10000xf32, #tpu.memory_space<hbm>>
      %dma_start3A_18 = tpu.memref_squeeze %dma_start3A_17 : memref<1x10000xf32, #tpu.memory_space<hbm>> -> memref<10000xf32, #tpu.memory_space<hbm>>
      tpu.enqueue_dma source(%dma_start3A_18 : memref<10000xf32, #tpu.memory_space<hbm>>) target(%arg6 : memref<10000xf32, #tpu.memory_space<vmem>>) target_semaphore(%run_scoped3A : memref<!tpu.dma_semaphore, #tpu.memory_space<semaphore_mem>>)
      %dma_wait3A = arith.constant 0 : i32
      %dma_wait3A_19 = tpu.memref_slice %arg3[%add3A, %dma_wait3A] : memref<32x10000xf32, #tpu.memory_space<hbm>> -> memref<1x10000xf32, #tpu.memory_space<hbm>>
      %dma_wait3A_20 = tpu.memref_squeeze %dma_wait3A_19 : memref<1x10000xf32, #tpu.memory_space<hbm>> -> memref<10000xf32, #tpu.memory_space<hbm>>
      %dma_wait3A_21 = arith.constant 0 : i32
      %dma_wait3A_22 = tpu.memref_slice %arg3[%add3A, %dma_wait3A_21] : memref<32x10000xf32, #tpu.memory_space<hbm>> -> memref<1x10000xf32, #tpu.memory_space<hbm>>
      %dma_wait3A_23 = tpu.memref_squeeze %dma_wait3A_22 : memref<1x10000xf32, #tpu.memory_space<hbm>> -> memref<10000xf32, #tpu.memory_space<hbm>>
      tpu.wait_dma2 semaphore(%run_scoped3A : memref<!tpu.dma_semaphore, #tpu.memory_space<semaphore_mem>>) src(%dma_wait3A_23 : memref<10000xf32, #tpu.memory_space<hbm>>) dst(%arg6 : memref<10000xf32, #tpu.memory_space<vmem>>)
      tpu.yield
    }) : () -> ()
    %scan3A = arith.constant 0 : i32
    %scan3A_1 = arith.constant 0 : i32
    %scan3A_2 = arith.constant 625 : i32
    %scan3A_3 = arith.addi %scan3A_1, %scan3A_2 : i32
    %scan3A_4 = arith.constant 1 : i32
    %scan3A_5 = scf.for %scan3A_14 = %scan3A_1 to %scan3A_3 step %scan3A_4 iter_args(%scan3A_15 = %scan3A) -> (i32)  : i32 {
      %broadcast_in_dim3A = arith.constant 0.000000e+00 : f32
      %broadcast_in_dim3A_16 = vector.broadcast %broadcast_in_dim3A : f32 to vector<16xf32>
      %mul3A_17 = arith.constant 16 : i32
      %mul3A_18 = arith.muli %scan3A_14, %mul3A_17 : i32
      %swap3A = arith.index_cast %mul3A_18 : i32 to index
      %swap3A_19 = tpu.vector_load %arg7[%swap3A] {strides = array<i32>} : memref<10000xf32, #tpu.memory_space<vmem>>, vector<16xf32>,
      tpu.vector_store %arg7[%swap3A], %broadcast_in_dim3A_16 {strides = array<i32>} : memref<10000xf32, #tpu.memory_space<vmem>>, vector<16xf32>,
      %scan3A_20 = arith.constant 0 : i32
      scf.yield %scan3A_20 : i32
    }
    %scan3A_6 = arith.constant 625 : i32
    %scan3A_7 = arith.constant 0 : i32
    %scan3A_8 = arith.constant 0 : i32
    %scan3A_9 = arith.constant 625 : i32
    %scan3A_10 = arith.addi %scan3A_8, %scan3A_9 : i32
    %scan3A_11 = arith.constant 1 : i32
    %scan3A_12 = scf.for %scan3A_14 = %scan3A_8 to %scan3A_10 step %scan3A_11 iter_args(%scan3A_15 = %scan3A_7) -> (i32)  : i32 {
      %mul3A_16 = arith.constant 16 : i32
      %mul3A_17 = arith.muli %scan3A_14, %mul3A_16 : i32
      %get3A = arith.index_cast %mul3A_17 : i32 to index
      %get3A_18 = tpu.vector_load %arg5[%get3A] {strides = array<i32>} : memref<10000xi32, #tpu.memory_space<vmem>>, vector<16xi32>,
      %mul3A_19 = arith.constant 16 : i32
      %mul3A_20 = arith.muli %scan3A_14, %mul3A_19 : i32
      %get3A_21 = arith.index_cast %mul3A_20 : i32 to index
      %get3A_22 = tpu.vector_load %arg6[%get3A_21] {strides = array<i32>} : memref<10000xf32, #tpu.memory_space<vmem>>, vector<16xf32>,
      tpu.vector_store_idx %arg7[%get3A_18], %get3A_22 {add = true} : memref<10000xf32, #tpu.memory_space<vmem>>[vector<16xi32>], vector<16xf32>,
      %scan3A_23 = arith.constant 0 : i32
      scf.yield %scan3A_23 : i32
    }
    %scan3A_13 = arith.constant 625 : i32
    "tpu.region"() ({
      %run_scoped3A = tpu.sem_alloc : memref<!tpu.dma_semaphore, #tpu.memory_space<semaphore_mem>>
      %dma_start3A = arith.constant 0 : i32
      %dma_start3A_14 = tpu.memref_slice %arg4[%add3A, %dma_start3A] : memref<32x10000xf32, #tpu.memory_space<hbm>> -> memref<1x10000xf32, #tpu.memory_space<hbm>>
      %dma_start3A_15 = tpu.memref_squeeze %dma_start3A_14 : memref<1x10000xf32, #tpu.memory_space<hbm>> -> memref<10000xf32, #tpu.memory_space<hbm>>
      %dma_start3A_16 = arith.constant 0 : i32
      %dma_start3A_17 = tpu.memref_slice %arg4[%add3A, %dma_start3A_16] : memref<32x10000xf32, #tpu.memory_space<hbm>> -> memref<1x10000xf32, #tpu.memory_space<hbm>>
      %dma_start3A_18 = tpu.memref_squeeze %dma_start3A_17 : memref<1x10000xf32, #tpu.memory_space<hbm>> -> memref<10000xf32, #tpu.memory_space<hbm>>
      tpu.enqueue_dma source(%arg7 : memref<10000xf32, #tpu.memory_space<vmem>>) target(%dma_start3A_18 : memref<10000xf32, #tpu.memory_space<hbm>>) target_semaphore(%run_scoped3A : memref<!tpu.dma_semaphore, #tpu.memory_space<semaphore_mem>>)
      %dma_wait3A = arith.constant 0 : i32
      %dma_wait3A_19 = tpu.memref_slice %arg4[%add3A, %dma_wait3A] : memref<32x10000xf32, #tpu.memory_space<hbm>> -> memref<1x10000xf32, #tpu.memory_space<hbm>>
      %dma_wait3A_20 = tpu.memref_squeeze %dma_wait3A_19 : memref<1x10000xf32, #tpu.memory_space<hbm>> -> memref<10000xf32, #tpu.memory_space<hbm>>
      %dma_wait3A_21 = arith.constant 0 : i32
      %dma_wait3A_22 = tpu.memref_slice %arg4[%add3A, %dma_wait3A_21] : memref<32x10000xf32, #tpu.memory_space<hbm>> -> memref<1x10000xf32, #tpu.memory_space<hbm>>
      %dma_wait3A_23 = tpu.memref_squeeze %dma_wait3A_22 : memref<1x10000xf32, #tpu.memory_space<hbm>> -> memref<10000xf32, #tpu.memory_space<hbm>>
      tpu.wait_dma2 semaphore(%run_scoped3A : memref<!tpu.dma_semaphore, #tpu.memory_space<semaphore_mem>>) src(%arg7 : memref<10000xf32, #tpu.memory_space<vmem>>) dst(%dma_wait3A_23 : memref<10000xf32, #tpu.memory_space<hbm>>)
      tpu.yield
    }) : () -> ()
    return
  }
}

</mosaic_0001>

<sc_bundles>
// kernel: _deg_call.3.cloned.1.call-start
scs
__scs_entry_jumppad:
0x0: {  	(pc) =	sbr.rel $0x88, $3  }
0x1: {  	(tag) =	ssettag $0x0;
	lr =	simm.s32 $0x1  }
0x2: {  	[smem:$0x3F9F] =	sst lr;
	_ =	strace $0xD0000000  }
0x3: {  	_ = 	snop  }
0x4: {  	_ = 	snop  }
0x5: {  	_ = 	snop  }
0x6: {  	_ = 	snop  }
0x7: {  	_ = 	snop  }
__scs_overlays_trampoline_lowered:
0x8: {  	[smem:$0x3FAE] =	sst s0  }
0x9: {  	[smem:$0x3FAF] =	sst s1  }
0xa: {  	[smem:$0x3FB0] =	sst s2  }
0xb: {  	[smem:$0x3FB1] =	sst s3  }
0xc: {  	[smem:$0x3FB2] =	sst s4  }
0xd: {  	[smem:$0x3FB3] =	sst s5  }
0xe: {  	[smem:$0x3FB4] =	sst s6  }
0xf: {  	[smem:$0x3FB5] =	sst s7  }
0x10: {  	[smem:$0x3FB6] =	sst s8  }
0x11: {  	[smem:$0x3FB7] =	sst s9;
	s0 =	simm.s32 @!p0 $0x0  }
0x12: {  	s1 =	sld [smem:$0x3F9D];
	s0 =	simm.s32 @p0 $0x1  }
0x13: {  	[smem:$0x3FB8] =	sst s0;
	s0 =	simm.s32 @!p1 $0x0  }
0x14: {  	s2 =	sld [smem:$0x3F9C];
	s0 =	simm.s32 @p1 $0x1  }
0x15: {  	[smem:$0x3FB9] =	sst s0;
	s0 =	simm.s32 @!p2 $0x0  }
0x16: {  	s3 =	sld [smem:$0x3FDB];
	s0 =	simm.s32 @p2 $0x1  }
0x17: {  	s4 =	simm.s32 $0x1BF5;
	[smem:$0x3FBB] =	sst s0  }
0x18: {  	s0 =	sld [smem:$0x3F9E];
	_ =	swait.ge [sflag:s4], $0x0  }
0x19: {  	s7 =	sld [smem:$0x3F9F]  }
0x1a: {  	s8 =	sadd.s32 $0xFFFFE003, lr  }
0x1b: {  	s9 =	sadd.s32 $0xFFFFFEF7, lr;
	s5 =	simm.s32 $0xFFFFFFFF;
	p2 =	slt.u32 s8, $0xFFFFF086  }
0x1c: {  	p1 =	slt.u32 s9, $0xF7A;
	s5 =	simm.s32 @!p2 $0x0  }
0x1d: {  	s5 =	simm.s32 @p1 $0x1;
	p0 =	seq.s32 s7, s2  }
0x1e: {  	s7 =	smul.u32 @!p0 $0xF7A, s2;
	p2 =	seq.s32 @!p0 s5, $0x0  }
0x1f: {  	s9 =	smul.u32 $0xF7A, s1;
	s8 =	simm.s32 @!p0 $0x1BF5;
	p2 =	por !p2, p0  }
0x20: {  	[sflag:s8] =	ssyncset.s32 @!p0 $0xFFFFF086;
	s6 =	sadd.s32 @!p0 s3, s7;
	s7 =	simm.s32 @!p0 $0x108  }
0x21: {  	s3 =	sadd.s32 s3, s9;
	s6 =	sadd.s32 @!p0 $0x88, s6;
	s7 =	simm.s32 @p2 $0x1082  }
0x22: {  	[simem:s7], [sflag:s8] =	dma.local @!p0 [hbm:s6], $0xF7A  }
0x23: {  	s9 =	sor.u32 $0xD0000000, s2;
	s6 =	simm.s32 $0x108;
	_ =	swait.ge @!p0 [sflag:s8], $0x0  }
0x24: {  	s3 =	sadd.s32 $0x88, s3;
	s6 =	simm.s32 @!p1 $0x1082;
	[sflag:s4] =	ssyncset.s32 $0xFFFFF086  }
0x25: {  	[simem:s6], [sflag:s4] =	dma.local [hbm:s3], $0xF7A  }
0x26: {  	[smem:$0x3F9F] =	sst s1;
	(tag) =	ssettag s2;
	_ =	strace s9  }
0x27: {  	s1 =	sld [smem:$0x3FAF]  }
0x28: {  	s2 =	sld [smem:$0x3FB0]  }
0x29: {  	s4 =	sld [smem:$0x3FB2]  }
0x2a: {  	p0 =	seq.s32 s5, $0x0;
	s5 =	sld [smem:$0x3FB3]  }
0x2b: {  	s6 =	sld [smem:$0x3FB4]  }
0x2c: {  	s7 =	sld [smem:$0x3FB5]  }
0x2d: {  	s3 =	simm.s32 $0x108;
	s8 =	sld [smem:$0x3FB6]  }
0x2e: {  	s3 =	simm.s32 @!p0 $0x1082;
	s9 =	sld [smem:$0x3FB7]  }
0x2f: {  	lr =	sadd.s32 s0, s3;
	s0 =	sld [smem:$0x3FAE]  }
0x30: {  	s3 =	sld [smem:$0x3FB1]  }
0x31: {  	[smem:$0x3FBA] =	sst s10  }
0x32: {  	s10 =	sld [smem:$0x3FB8];
	_ =	sdelay $0x3  }
0x33: {  	p0 =	seq.s32 s10, $0x1;
	s10 =	sld [smem:$0x3FBA];
	_ =	sdelay $0x3  }
0x34: {  	[smem:$0x3FBA] =	sst s10  }
0x35: {  	s10 =	sld [smem:$0x3FB9];
	_ =	sdelay $0x3  }
0x36: {  	p1 =	seq.s32 s10, $0x1;
	s10 =	sld [smem:$0x3FBA];
	_ =	sdelay $0x3  }
0x37: {  	[smem:$0x3FBA] =	sst s10  }
0x38: {  	s10 =	sld [smem:$0x3FBB]  }
0x39: {  	_ = 	snop;
	(pc) =	sbr.ind lr, $3  }
0x3a: {  	_ = 	snop  }
0x3b: {  	_ = 	snop  }
0x3c: {  	p2 =	seq.s32 s10, $0x1;
	s10 =	sld [smem:$0x3FBA]  }
0x3d: {  	_ =	shalt  }
0x3e: {  	_ =	shalt  }
0x3f: {  	_ =	shalt  }
0x40: {  	_ =	shalt  }
0x41: {  	_ =	shalt  }
0x42: {  	_ =	shalt  }
0x43: {  	_ =	shalt  }
0x44: {  	_ =	shalt  }
0x45: {  	_ =	shalt  }
0x46: {  	_ =	shalt  }
0x47: {  	_ =	shalt  }
0x48: {  	_ =	shalt  }
0x49: {  	_ =	shalt  }
0x4a: {  	_ =	shalt  }
0x4b: {  	_ =	shalt  }
0x4c: {  	_ =	shalt  }
0x4d: {  	_ =	shalt  }
0x4e: {  	_ =	shalt  }
0x4f: {  	_ =	shalt  }
0x50: {  	_ =	shalt  }
0x51: {  	_ =	shalt  }
0x52: {  	_ =	shalt  }
0x53: {  	_ =	shalt  }
0x54: {  	_ =	shalt  }
0x55: {  	_ =	shalt  }
0x56: {  	_ =	shalt  }
0x57: {  	_ =	shalt  }
0x58: {  	_ =	shalt  }
0x59: {  	_ =	shalt  }
0x5a: {  	_ =	shalt  }
0x5b: {  	_ =	shalt  }
0x5c: {  	_ =	shalt  }
0x5d: {  	_ =	shalt  }
0x5e: {  	_ =	shalt  }
0x5f: {  	_ =	shalt  }
0x60: {  	_ =	shalt  }
0x61: {  	_ =	shalt  }
0x62: {  	_ =	shalt  }
0x63: {  	_ =	shalt  }
0x64: {  	_ =	shalt  }
0x65: {  	_ =	shalt  }
0x66: {  	_ =	shalt  }
0x67: {  	_ =	shalt  }
0x68: {  	_ =	shalt  }
0x69: {  	_ =	shalt  }
0x6a: {  	_ =	shalt  }
0x6b: {  	_ =	shalt  }
0x6c: {  	_ =	shalt  }
0x6d: {  	_ =	shalt  }
0x6e: {  	_ =	shalt  }
0x6f: {  	_ =	shalt  }
0x70: {  	_ =	shalt  }
0x71: {  	_ =	shalt  }
0x72: {  	_ =	shalt  }
0x73: {  	_ =	shalt  }
0x74: {  	_ =	shalt  }
0x75: {  	_ =	shalt  }
0x76: {  	_ =	shalt  }
0x77: {  	_ =	shalt  }
0x78: {  	_ =	shalt  }
0x79: {  	_ =	shalt  }
0x7a: {  	_ =	shalt  }
0x7b: {  	_ =	shalt  }
0x7c: {  	_ =	shalt  }
0x7d: {  	_ =	shalt  }
0x7e: {  	_ =	shalt  }
0x7f: {  	_ =	shalt  }
0x80: {  	_ =	shalt  }
0x81: {  	_ =	shalt  }
0x82: {  	_ =	shalt  }
0x83: {  	_ =	shalt  }
0x84: {  	_ =	shalt  }
0x85: {  	_ =	shalt  }
0x86: {  	_ =	shalt  }
0x87: {  	_ =	shalt  }
.Lfunc_end0:
.L_simem_size_0:
called_computation_lowered:
.L_overlay_start_0:
0x88: {  	s2 =	sld [smem:$0x3FD9]  }
0x89: {  	s3 =	sld [smem:$0x3FFE];
	_ =	sdelay $0x1  }
0x8a: {  	s1 =	srdreg.scid  }
0x8b: {  	s0 =	sand.u32 $0x1, s1  }
0x8c: {  	s17 =	sshll.u32 s0, $0xA;
	s2 =	sadd.s32 s3, s2  }
0x8d: {  	s2 =	sadd.s32 s2, s17  }
0x8e: {  	[smem:$0x3FC6] =	sst s2  }
0x8f: {  	_ = 	snop  }
0x90: {  	s2 =	sld [smem:$0x3FD0];
	(tm) =	ssettm $0x1  }
0x91: {  	s18 =	sld [smem:$0x3FFB];
	_ =	sdelay $0x3  }
0x92: {  	_ =	strace s18  }
0x93: {  	s3 =	sld [smem:$0x3FFC];
	_ =	sdelay $0x3  }
0x94: {  	_ =	strace s3  }
0x95: {  	s3 =	sld [smem:$0x3FFD];
	_ =	sdelay $0x3  }
0x96: {  	_ =	strace s3  }
0x97: {  	_ =	strace $0x8FFFFFFF  }
0x98: {  	s19 =	sld [smem:$0x3FDB];
	_ =	sdelay $0x1  }
0x99: {  	s4 =	simm.s32 $_scs_section_size  }
0x9a: {  	s5 =	simm.s32 $_size__tile_overlayer_lowered;
	s6 =	simm.s32 $_tile_overlayer_lowered  }
0x9b: {  	s22 =	simm.s32 $0x1BFF;
	s21 =	sshll.u32 s6, $0x1;
	s3 =	sadd.s32 s4, s19  }
0x9c: {  	s7 =	simm.s32 $0x0;
	s20 =	sshll.u32 s5, $0x1;
	s5 =	sadd.s32 s21, s3  }
0x9d: {  	[timem:s7], [sflag:s22] =	dma.local [hbm:s5], s20  }
0x9e: {  	_ =	swait.ge [sflag:s22], s20  }
0x9f: {  	s4 =	ssub.s32 $0x0, s20;
	[sflag:s22] =	ssyncset.done $0x0  }
0xa0: {  	[sflag:s22] =	ssyncadd.s32 s4;
	_ =	sdelay $0x1  }
0xa1: {  	s23 =	simm.s32 $0x1B8B  }
0xa2: {  	_ =	swait.ge [sflag:s23], $0x1  }
0xa3: {  	[sflag:s23] =	ssyncset.done $0x0  }
0xa4: {  	s25 =	simm.s32 $0x1B8E;
	s24 =	sld [smem:$0x3FFE];
	[sflag:s23] =	ssyncadd.s32 $0xFFFFFFFF  }
0xa5: {  	s26 =	simm.s32 $execute0_lowered;
	[smem:$0x3FD2] =	sst s25  }
0xa6: {  	s5 =	sshll.u32 s26, $0x1;
	_ =	strace $0x80000046;
	[dreg:$0x1] =	wrdreg $0xFFFFFFFF  }
0xa7: {  	s28 =	simm.s32 $_size_execute0_lowered;
	s3 =	sadd.s32 s3, s5;
	[dreg:$0x0] =	wrdreg $0x0  }
0xa8: {  	s5 =	sshll.u32 s28, $0x1;
	[dreg:$0x2] =	wrdreg s3  }
0xa9: {  	[dreg:$0x3] =	wrdreg s5  }
0xaa: {  	[dreg:$0x4] =	wrdreg $0xC0  }
0xab: {  	_ =	task [dreg:s7], $0x5FFFF  }
0xac: {  	[dreg:$0x1] =	wrdreg $0xFFFFFFFF  }
0xad: {  	[dreg:$0x0] =	wrdreg $0x60  }
0xae: {  	[dreg:$0x2] =	wrdreg s2  }
0xaf: {  	[dreg:$0x3] =	wrdreg s24  }
0xb0: {  	[dreg:$0x4] =	wrdreg $0x9  }
0xb1: {  	_ =	task.clear_ibuf [dreg:s7], $0x5FFFF;
	_ =	strace $0x90000046  }
0xb2: {  	s29 =	simm.s32 $0x9;
	_ =	strace $0x80000048  }
0xb3: {  	_ =	swait.ge [sflag:s29], $0x1  }
0xb4: {  	[sflag:s29] =	ssyncadd.s32 $0xFFFFFFFF  }
0xb5: {  	_ =	strace $0x90000048  }
0xb6: {  	_ =	sfence  }
0xb7: {  	s30 =	sld [smem:$0x0];
	_ =	sdelay $0x2  }
0xb8: {  	s31 =	sshll.u32 s1, $0xD;
	s1 =	sshrl.u32 s1, $0x2  }
0xb9: {  	s3 =	sand.u32 $0x4000, s31;
	s1 =	sadd.s32 s1, s30  }
0xba: {  	s0 =	sor.u32 s3, s0;
	s1 =	sshll.u32 s1, $0x11  }
0xbb: {  	s0 =	sor.u32 s1, s0  }
0xbc: {  	s0 =	sadd.s32 $0x8F2B, s0  }
0xbd: {  	[sflag:s0] =	ssyncadd.remote.s32 $0x1  }
0xbe: {  	_ =	sfence.sel $0xFFFF  }
0xbf: {  	[dreg:$0x0] =	wrdreg $0xFFFFFFFF;
	(pc) =	sbr.abs _section_cstart, $3  }
0xc0: {  	[dreg:$0x1] =	wrdreg $0xFFFFFFFF  }
0xc1: {  	_ =	task.clear_ibuf [dreg:s7], $0x2FFFF;
	_ =	strace $0x9FFFFFFF  }
0xc2: {  	(tm) =	ssettm $0x7FFFFFFF  }
0xc3: {  	_ =	shalt  }
tec
execute0_lowered:
.L_overlay_start_1:
0x0: {  	(tag) =	ssettag $0x1  }
0x1: {  	s4 =	rddreg [dreg:$0x0]  }
0x2: {  	s0 =	srdreg.scid;
	s5 =	rddreg [dreg:$0x1]  }
0x3: {  	s2 =	simm.s32 $0x0;
	s8 =	simm.s32 $0x2710;
	s3 =	sand.u32 $0x1, s0  }
0x4: {  	s9 =	simm.s32 $0x4E20;
	s0 =	stileid.u32;
	s1 =	sshll.u32 s3, $0x4  }
0x5: {  	s10 =	simm.s32 $0x0;
	s3 =	ssub.s32 $0x2, s3;
	s6 =	sor.u32 s0, s1  }
0x6: {  	[smem:$0x7FF] =	sst s2;
	s7 =	sshrl.u32 s3, $0x1;
	s6 =	smul.u32 $0x4E2, s6  }
0x7: {  	s1 =	rddreg [dreg:$0x2];
	_ =	strace $0x80000047;
	s7 =	ssub.s32 s3, s7  }
0x8: {  	s5 =	sadd.s32 s6, s5;
	s3 =	sadd.s32 s4, s6;
	s6 =	smax.u32 s7, $0x1  }
0x9: {  	v0 =	vimm.f32 $0.0e+00;
	s7 =	simm.s32 $0x1;
	s4 =	sadd.s32 $0x600, s5;
	s5 =	sadd.s32 $0xA400, s5  }
.LBB2_1:
0xa: {  	[tilespmem:s2], [sflag:$0x1] =	stream.linear.gather [hbm4b:s3+s2], $0x2710, $0x38;
	[tilespmem:$0x7530] =	vst v63  }
0xb: {  	_ =	swait.ge [sflag:s7], $0x2710  }
0xc: {  	[sflag:s7] =	ssyncset.done $0x0  }
0xd: {  	[sflag:s7] =	ssyncadd.s32 $0xFFFFD8F0  }
0xe: {  	[tilespmem:s8], [sflag:$0x1] =	stream.linear.gather [hbm4b:s4+s2], $0x2710, $0x38;
	[tilespmem:$0x7530] =	vst v63  }
0xf: {  	_ =	swait.ge [sflag:s7], $0x2710  }
0x10: {  	[sflag:s7] =	ssyncset.done $0x0  }
0x11: {  	s11 =	simm.s32 $0x0;
	[sflag:s7] =	ssyncadd.s32 $0xFFFFD8F0  }
.LBB2_2:
0x12: {  	p0 =	sne.s32 s11, $0x9C00  }
.Ltmp0:
0x13: {  	_ = 	snop;
	(pc) =	sbr.rel @p0 .LBB2_2-.Ltmp0, $3  }
0x14: {  	_ =	sdelay $0x1  }
0x15: {  	s12 =	sshra.s32 s11, $0x2  }
0x16: {  	s11 =	sadd.s32 $0x40, s11;
	[tilespmem:s12+$0x4E20] =	vst v0  }
0x17: {  	s12 =	simm.s32 $0x0;
	s11 =	simm.s32 $0x40  }
.LBB2_4:
0x18: {  	p0 =	sne.s32 s11, $0x9C00;
	v1 =	vld [tilespmem:s12+$0x0];
	_ =	sdelay $0x2  }
0x19: {  	v2 =	vld [tilespmem:s12+$0x2710]  }
.Ltmp1:
0x1a: {  	(pc) =	sbr.rel @p0 .LBB2_4-.Ltmp1, $2  }
0x1b: {  	_ =	sdelay $0x2  }
0x1c: {  	s12 =	sshra.s32 s11, $0x2;
	s11 =	sadd.s32 $0x40, s11;
	[tilespmem:v1+s9+$0x0] =	vst.idx.add.f32.msk $0xffff, v2  }
0x1d: {  	v1 =	vld [tilespmem:s12+$0x0];
	_ =	sdelay $0x2  }
0x1e: {  	v2 =	vld [tilespmem:s12+$0x2710];
	_ =	sdelay $0x2  }
0x1f: {  	s10 =	sadd.s32 $0x1, s10  }
0x20: {  	p0 =	sne.s32 s10, s6  }
.Ltmp2:
0x21: {  	[tilespmem:v1+s9+$0x0] =	vst.idx.add.f32.msk $0xffff, v2;
	(pc) =	sbr.rel @p0 .LBB2_1-.Ltmp2, $4  }
0x22: {  	[hbm4b:s5+s2] =	stream.linear.scatter [tilespmem:s9], [sflag:$0x1], $0x2710, $0x38;
	[tilespmem:$0x7530] =	vst v63  }
0x23: {  	_ =	swait.ge [sflag:s7], $0x2710  }
0x24: {  	[sflag:s7] =	ssyncset.done $0x0  }
0x25: {  	[sflag:s7] =	ssyncadd.s32 $0xFFFFD8F0  }
0x26: {  	_ =	sfence.sel $0x180000  }
0x27: {  	[bflag:$0x0] =	sbarrier.arrive $0xFFFF  }
0x28: {  	p0 =	sne.s32 s0, $0x0;
	_ =	strace $0x90000047  }
0x29: {  	s0 =	sadd.s32 @!p0 $0x100000, s1;
	[bflag:$0x2] =	sbarrier.arrive $0xFFFF  }
0x2a: {  	[sflag:s0] =	ssyncadd.tile.s32 @!p0 $0x1;
	_ =	shalt  }
.Lfunc_end2:
_tile_overlayer_lowered:
.L_overlay_start_2:
0x2b: {  	(tag) =	ssettag $0x2  }
0x2c: {  	s0 =	rddreg [dreg:$0x0];
	s2 =	stileid.u32  }
0x2d: {  	s1 =	rddreg [dreg:$0x1];
	p0 =	sne.s32 s2, $0x0  }
0x2e: {  	s3 =	rddreg [dreg:$0x2];
	[bflag:$0x3] =	sbarrier.arrive $0xFFFF;
	s2 =	simm.s32 @!p0 $0x1C01  }
0x2f: {  	[timem:s3], [sflag:s2] =	dma.local @!p0 [hbm:s0], s1  }
0x30: {  	s0 =	simm.s32 @!p0 $0x1  }
0x31: {  	_ =	swait.ge @!p0 [sflag:s0], s1  }
0x32: {  	s1 =	ssub.s32 @!p0 $0x0, s1;
	[sflag:s0] =	ssyncset.done @!p0 $0x0  }
0x33: {  	[sflag:s0] =	ssyncadd.s32 @!p0 s1  }
0x34: {  	[bflag:$0x3] =	sbarrier.arrive $0xFFFF  }
0x35: {  	_ =	shalt  }

</sc_bundles>
